<compile_context>
chip_gen: v7x
topology: tpu7x:2x2x1
jax: 0.10.2.dev20260603
libtpu: 0.0.44.dev20260713+nightly
codegen_flags: <defaults>
</compile_context>

<pallas_src>
import functools

import jax
import jax.numpy as jnp
from jax import lax
from jax.experimental import pallas as pl
from jax.experimental.pallas import tpu as pltpu
from jax.experimental.pallas import tpu_sc as plsc

DIM = 4096
TOTAL = DIM * DIM
NNZ = 167772
NCORES = 2
NSUB = 16
NWORK = NCORES * NSUB
SLAB = TOTAL // NWORK
NCHUNK = 8
CHUNK = SLAB // NCHUNK
SEG = 4096
NSEG = -(-NNZ // SEG)
PADDED = NSEG * SEG
LOOK = 16
CAP = 8192
L = 16

_mesh = plsc.VectorSubcoreMesh(core_axis_name="c", subcore_axis_name="s")


@functools.partial(
    pl.kernel,
    out_type=jax.ShapeDtypeStruct((TOTAL,), jnp.float32),
    mesh=_mesh,
    compiler_params=pltpu.CompilerParams(needs_layout_passes=False),
    scratch_types=[
        pltpu.VMEM((SEG + LOOK,), jnp.int32),
        pltpu.VMEM((SEG,), jnp.float32),
        pltpu.VMEM((CAP,), jnp.int32),
        pltpu.VMEM((CAP,), jnp.float32),
        pltpu.VMEM((CHUNK,), jnp.float32),
        pltpu.VMEM((64,), jnp.int32),
        pltpu.VMEM((64,), jnp.int32),
        pltpu.SemaphoreType.DMA,
    ],
)
def _scatter_to_dense(flat_hbm, val_hbm, out_hbm, segf, segv, lflat, lval,
                      cbuf, bidx, bvals, semb):
    wid = lax.axis_index("s") * NCORES + lax.axis_index("c")
    lo = wid * SLAB
    lane = lax.iota(jnp.int32, L)
    zero_v = jnp.zeros((L,), jnp.int32)
    one_v = jnp.full((L,), 1, jnp.int32)
    zeros16f = jnp.zeros((L,), jnp.float32)
    total_v = jnp.full((L,), TOTAL, jnp.int32)
    lo_v = jnp.full((L,), SLAB, jnp.int32) * lax.broadcast(wid, (L,))
    hi_v = lo_v + jnp.full((L,), SLAB, jnp.int32)

    def _init_bidx(k, carry):
        v = jnp.minimum((lane + k * L) * SEG, jnp.full((L,), PADDED, jnp.int32))
        bidx[pl.ds(k * L, L)] = v
        return carry

    lax.fori_loop(0, 4, _init_bidx, 0)
    pltpu.async_copy(flat_hbm.at[bidx], bvals, semb).wait()

    sstart_v = zero_v
    send_v = zero_v
    for k in range(3):
        nxt = bvals[pl.ds(k * L + 1, L)]
        fst = bvals[pl.ds(k * L, L)]
        sstart_v = sstart_v + plsc.all_reduce_population_count(nxt < lo_v)
        send_v = send_v + plsc.all_reduce_population_count(fst < hi_v)
    bidx[pl.ds(0, L)] = sstart_v
    bidx[pl.ds(L, L)] = send_v
    s0 = bidx[pl.ds(0, L)][0]
    s1 = jnp.minimum(bidx[pl.ds(L, L)][0], jnp.int32(NSEG))

    def _init_l(j, carry):
        lflat[pl.ds(j * L, L)] = total_v
        return carry

    lax.fori_loop(0, CAP // L, _init_l, 0)

    def _init_c(i, carry):
        cbuf[pl.ds(i * L, L)] = zeros16f
        return carry

    lax.fori_loop(0, CHUNK // L, _init_c, 0)

    slab_v = jnp.full((L,), SLAB, jnp.int32)
    capm1_v = jnp.full((L,), CAP - 1, jnp.int32)

    def _seg_body(s, cnt_v):
        pltpu.sync_copy(flat_hbm.at[pl.ds(s * SEG, SEG + LOOK)], segf)
        pltpu.sync_copy(val_hbm.at[pl.ds(s * SEG, SEG)], segv)

        def _vec_body(j, cnt_v):
            fv = segf[pl.ds(j * L, L)]
            fnext = segf[pl.ds(j * L + 1, L)]
            vv = segv[pl.ds(j * L, L)]
            rel = fv - lo_v
            m = (rel >= zero_v) & (rel < slab_v) & (fv != fnext)
            pos = cnt_v + plsc.cumsum(jnp.where(m, one_v, zero_v)) - one_v
            pos = jnp.minimum(jnp.maximum(pos, zero_v), capm1_v)
            plsc.store_scatter(lflat, [pos], fv, mask=m)
            plsc.store_scatter(lval, [pos], vv, mask=m)
            pc = plsc.all_reduce_population_count(m)
            return cnt_v + pc

        return lax.fori_loop(0, SEG // L, _vec_body, cnt_v)

    cnt_v = lax.fori_loop(s0, s1, _seg_body, zero_v)
    bidx[pl.ds(0, L)] = cnt_v
    cnt = bidx[pl.ds(0, L)][0]
    ntrip = lax.div(cnt + (L - 1), jnp.int32(L))

    chunk_v = jnp.full((L,), CHUNK, jnp.int32)
    chunkm1_v = jnp.full((L,), CHUNK - 1, jnp.int32)

    def _chunk_body(c, carry):
        base = lo + c * CHUNK
        base_v = lax.broadcast(base, (L,))

        def _scat(j, carry):
            fv = lflat[pl.ds(j * L, L)]
            vv = lval[pl.ds(j * L, L)]
            rel = fv - base_v
            m = (rel >= zero_v) & (rel < chunk_v)
            idx = jnp.minimum(jnp.maximum(rel, zero_v), chunkm1_v)
            plsc.store_scatter(cbuf, [idx], vv, mask=m)
            return carry

        lax.fori_loop(0, ntrip, _scat, 0)
        pltpu.sync_copy(cbuf, out_hbm.at[pl.ds(base, CHUNK)])

        def _reset(j, carry):
            fv = lflat[pl.ds(j * L, L)]
            rel = fv - base_v
            m = (rel >= zero_v) & (rel < chunk_v)
            idx = jnp.minimum(jnp.maximum(rel, zero_v), chunkm1_v)
            plsc.store_scatter(cbuf, [idx], zeros16f, mask=m)
            return carry

        lax.fori_loop(0, ntrip, _reset, 0)
        return carry

    lax.fori_loop(0, NCHUNK, _chunk_body, 0)


def kernel(values, indices):
    indices = indices.astype(jnp.int32)
    flat = indices[:, 0] * DIM + indices[:, 1]
    flat, vals = lax.sort((flat, values), dimension=0, is_stable=False,
                          num_keys=1)
    pad = PADDED + LOOK - NNZ
    flat = jnp.concatenate([flat, jnp.full((pad,), TOTAL, jnp.int32)])
    vals = jnp.concatenate([vals, jnp.zeros((PADDED - NNZ,), jnp.float32)])
    dense = _scatter_to_dense(flat, vals)
    return dense.reshape(DIM, DIM)

# --- scband reference (transcript-rebuilt; emitter-appended) ---
"""Pipeline reference for scband-to-dense-17824114279077 (READ-ONLY COPY).

The authoritative reference and input builder live on the scoring server;
editing this copy changes nothing except your own understanding.
"""

import jax, jax.numpy as jnp
import numpy as np

N = 4096
NNZ = 167772

def setup_inputs(seed: int = 0) -> dict:
    key = jax.random.key(seed)
    k1, k2 = jax.random.split(key)
    values = jax.random.normal(k1, (NNZ,), dtype=jnp.float32)
    indices = jax.random.randint(k2, (NNZ, 2), 0, N, dtype=jnp.int64)
    return {"values": values, "indices": indices}

def reference(values, indices):
    # tf.sparse.to_dense: scatter-overwrite of sparse values into a dense zeros tensor
    dense = jnp.zeros((N, N), dtype=values.dtype)
    dense = dense.at[indices[:, 0], indices[:, 1]].set(values)
    return dense

if __name__ == "__main__":
    import jax
    _d = setup_inputs()
    print(jax.jit(kernel)(*tuple(_d.values())))

</pallas_src>

<mosaic_0001>
#map = affine_map<(d0, d1) -> (0)>
module attributes {stable_mosaic.version = 14 : i64} {
  func.func @_scatter_to_dense(%arg0: i32, %arg1: i32, %arg2: memref<167952xi32, #tpu.memory_space<hbm>>, %arg3: memref<167936xf32, #tpu.memory_space<hbm>>, %arg4: memref<16777216xf32, #tpu.memory_space<hbm>>, %arg5: memref<4112xi32, #tpu.memory_space<vmem>>, %arg6: memref<4096xf32, #tpu.memory_space<vmem>>, %arg7: memref<8192xi32, #tpu.memory_space<vmem>>, %arg8: memref<8192xf32, #tpu.memory_space<vmem>>, %arg9: memref<65536xf32, #tpu.memory_space<vmem>>, %arg10: memref<64xi32, #tpu.memory_space<vmem>>, %arg11: memref<64xi32, #tpu.memory_space<vmem>>, %arg12: memref<!tpu.dma_semaphore, #tpu.memory_space<semaphore_mem>>) attributes {dimension_semantics = [#tpu.dimension_semantics<core_parallel>, #tpu.dimension_semantics<subcore_parallel>], iteration_bounds = array<i64: 2, 16>, scalar_prefetch = 0 : i64, scratch_operands = 8 : i64, tpu.core_type = #tpu.core_type<sc_vector_subcore>, window_params = [{transform_indices = #map}, {transform_indices = #map}, {transform_indices = #map}]} {
    %mul3A = arith.constant 2 : i32
    %mul3A_0 = arith.muli %arg1, %mul3A : i32
    %add3A = arith.addi %mul3A_0, %arg0 : i32
    %mul3A_1 = arith.constant 524288 : i32
    %mul3A_2 = arith.muli %add3A, %mul3A_1 : i32
    %iota3A = tpu.iota {dimensions = array<i32: 0>} : vector<16xi32>
    %broadcast_in_dim3A = arith.constant 0 : i32
    %broadcast_in_dim3A_3 = vector.broadcast %broadcast_in_dim3A : i32 to vector<16xi32>
    %broadcast_in_dim3A_4 = arith.constant 1 : i32
    %broadcast_in_dim3A_5 = vector.broadcast %broadcast_in_dim3A_4 : i32 to vector<16xi32>
    %broadcast_in_dim3A_6 = arith.constant 0.000000e+00 : f32
    %broadcast_in_dim3A_7 = vector.broadcast %broadcast_in_dim3A_6 : f32 to vector<16xf32>
    %broadcast_in_dim3A_8 = arith.constant 16777216 : i32
    %broadcast_in_dim3A_9 = vector.broadcast %broadcast_in_dim3A_8 : i32 to vector<16xi32>
    %broadcast_in_dim3A_10 = arith.constant 524288 : i32
    %broadcast_in_dim3A_11 = vector.broadcast %broadcast_in_dim3A_10 : i32 to vector<16xi32>
    %broadcast_in_dim3A_12 = vector.broadcast %add3A : i32 to vector<16xi32>
    %mul3A_13 = arith.muli %broadcast_in_dim3A_11, %broadcast_in_dim3A_12 : vector<16xi32>
    %broadcast_in_dim3A_14 = arith.constant 524288 : i32
    %broadcast_in_dim3A_15 = vector.broadcast %broadcast_in_dim3A_14 : i32 to vector<16xi32>
    %add3A_16 = arith.addi %mul3A_13, %broadcast_in_dim3A_15 : vector<16xi32>
    %scan3A = arith.constant 0 : i32
    %scan3A_17 = arith.constant 0 : i32
    %scan3A_18 = arith.constant 4 : i32
    %scan3A_19 = arith.addi %scan3A_17, %scan3A_18 : i32
    %scan3A_20 = arith.constant 1 : i32
    scf.for %scan3A_105 = %scan3A_17 to %scan3A_19 step %scan3A_20  : i32 {
      %mul3A_106 = arith.constant 16 : i32
      %mul3A_107 = arith.muli %scan3A_105, %mul3A_106 : i32
      %add3A_108 = vector.broadcast %mul3A_107 : i32 to vector<16xi32>
      %add3A_109 = arith.addi %iota3A, %add3A_108 : vector<16xi32>
      %mul3A_110 = arith.constant 4096 : i32
      %mul3A_111 = vector.broadcast %mul3A_110 : i32 to vector<16xi32>
      %mul3A_112 = arith.muli %add3A_109, %mul3A_111 : vector<16xi32>
      %broadcast_in_dim3A_113 = arith.constant 167936 : i32
      %broadcast_in_dim3A_114 = vector.broadcast %broadcast_in_dim3A_113 : i32 to vector<16xi32>
      %min3A_115 = arith.minsi %mul3A_112, %broadcast_in_dim3A_114 : vector<16xi32>
      %mul3A_116 = arith.constant 16 : i32
      %mul3A_117 = arith.muli %scan3A_105, %mul3A_116 : i32
      %swap3A_118 = arith.index_cast %mul3A_117 : i32 to index
      %swap3A_119 = tpu.vector_load %arg10[%swap3A_118] {strides = array<i32>} : memref<64xi32, #tpu.memory_space<vmem>>, vector<16xi32>,
      tpu.vector_store %arg10[%swap3A_118], %min3A_115 {strides = array<i32>} : memref<64xi32, #tpu.memory_space<vmem>>, vector<16xi32>,
    }
    %scan3A_21 = arith.constant 4 : i32
    %dma_start3A = arith.constant 0 : i32
    %dma_start3A_22 = tpu.memref_slice %arg2[%dma_start3A] : memref<167952xi32, #tpu.memory_space<hbm>> -> memref<167952xi32, #tpu.memory_space<hbm>>
    tpu.enqueue_indirect_dma source(%dma_start3A_22 : memref<167952xi32, #tpu.memory_space<hbm>>) target(%arg11 : memref<64xi32, #tpu.memory_space<vmem>>) offsets(%arg10 : memref<64xi32, #tpu.memory_space<vmem>>) semaphore(%arg12 : memref<!tpu.dma_semaphore, #tpu.memory_space<semaphore_mem>>)
    %dma_wait3A = arith.constant 0 : i32
    %dma_wait3A_23 = tpu.memref_slice %arg2[%dma_wait3A] : memref<167952xi32, #tpu.memory_space<hbm>> -> memref<167952xi32, #tpu.memory_space<hbm>>
    tpu.wait_indirect_dma semaphore(%arg12 : memref<!tpu.dma_semaphore, #tpu.memory_space<semaphore_mem>>) src(%dma_wait3A_23 : memref<167952xi32, #tpu.memory_space<hbm>>) dst(%arg11 : memref<64xi32, #tpu.memory_space<vmem>>)
    %get3A = arith.constant 1 : index
    %get3A_24 = tpu.vector_load %arg11[%get3A] {strides = array<i32>} : memref<64xi32, #tpu.memory_space<vmem>>, vector<16xi32>,
    %get3A_25 = arith.constant 0 : index
    %get3A_26 = tpu.vector_load %arg11[%get3A_25] {strides = array<i32>} : memref<64xi32, #tpu.memory_space<vmem>>, vector<16xi32>,
    %lt3A = arith.cmpi slt, %get3A_24, %mul3A_13 : vector<16xi32>
    %all_reduce_population_count3A = tpu.all_reduce %lt3A {dim = 0 : i64, kind = #tpu.reduction_kind<sum>} : vector<16xi1> -> vector<16xi32>
    %add3A_27 = arith.addi %broadcast_in_dim3A_3, %all_reduce_population_count3A : vector<16xi32>
    %lt3A_28 = arith.cmpi slt, %get3A_26, %add3A_16 : vector<16xi32>
    %all_reduce_population_count3A_29 = tpu.all_reduce %lt3A_28 {dim = 0 : i64, kind = #tpu.reduction_kind<sum>} : vector<16xi1> -> vector<16xi32>
    %add3A_30 = arith.addi %broadcast_in_dim3A_3, %all_reduce_population_count3A_29 : vector<16xi32>
    %get3A_31 = arith.constant 17 : index
    %get3A_32 = tpu.vector_load %arg11[%get3A_31] {strides = array<i32>} : memref<64xi32, #tpu.memory_space<vmem>>, vector<16xi32>,
    %get3A_33 = arith.constant 16 : index
    %get3A_34 = tpu.vector_load %arg11[%get3A_33] {strides = array<i32>} : memref<64xi32, #tpu.memory_space<vmem>>, vector<16xi32>,
    %lt3A_35 = arith.cmpi slt, %get3A_32, %mul3A_13 : vector<16xi32>
    %all_reduce_population_count3A_36 = tpu.all_reduce %lt3A_35 {dim = 0 : i64, kind = #tpu.reduction_kind<sum>} : vector<16xi1> -> vector<16xi32>
    %add3A_37 = arith.addi %add3A_27, %all_reduce_population_count3A_36 : vector<16xi32>
    %lt3A_38 = arith.cmpi slt, %get3A_34, %add3A_16 : vector<16xi32>
    %all_reduce_population_count3A_39 = tpu.all_reduce %lt3A_38 {dim = 0 : i64, kind = #tpu.reduction_kind<sum>} : vector<16xi1> -> vector<16xi32>
    %add3A_40 = arith.addi %add3A_30, %all_reduce_population_count3A_39 : vector<16xi32>
    %get3A_41 = arith.constant 33 : index
    %get3A_42 = tpu.vector_load %arg11[%get3A_41] {strides = array<i32>} : memref<64xi32, #tpu.memory_space<vmem>>, vector<16xi32>,
    %get3A_43 = arith.constant 32 : index
    %get3A_44 = tpu.vector_load %arg11[%get3A_43] {strides = array<i32>} : memref<64xi32, #tpu.memory_space<vmem>>, vector<16xi32>,
    %lt3A_45 = arith.cmpi slt, %get3A_42, %mul3A_13 : vector<16xi32>
    %all_reduce_population_count3A_46 = tpu.all_reduce %lt3A_45 {dim = 0 : i64, kind = #tpu.reduction_kind<sum>} : vector<16xi1> -> vector<16xi32>
    %add3A_47 = arith.addi %add3A_37, %all_reduce_population_count3A_46 : vector<16xi32>
    %lt3A_48 = arith.cmpi slt, %get3A_44, %add3A_16 : vector<16xi32>
    %all_reduce_population_count3A_49 = tpu.all_reduce %lt3A_48 {dim = 0 : i64, kind = #tpu.reduction_kind<sum>} : vector<16xi1> -> vector<16xi32>
    %add3A_50 = arith.addi %add3A_40, %all_reduce_population_count3A_49 : vector<16xi32>
    %swap3A = arith.constant 0 : index
    %swap3A_51 = tpu.vector_load %arg10[%swap3A] {strides = array<i32>} : memref<64xi32, #tpu.memory_space<vmem>>, vector<16xi32>,
    tpu.vector_store %arg10[%swap3A], %add3A_47 {strides = array<i32>} : memref<64xi32, #tpu.memory_space<vmem>>, vector<16xi32>,
    %swap3A_52 = arith.constant 16 : index
    %swap3A_53 = tpu.vector_load %arg10[%swap3A_52] {strides = array<i32>} : memref<64xi32, #tpu.memory_space<vmem>>, vector<16xi32>,
    tpu.vector_store %arg10[%swap3A_52], %add3A_50 {strides = array<i32>} : memref<64xi32, #tpu.memory_space<vmem>>, vector<16xi32>,
    %get3A_54 = arith.constant 0 : index
    %get3A_55 = tpu.vector_load %arg10[%get3A_54] {strides = array<i32>} : memref<64xi32, #tpu.memory_space<vmem>>, vector<16xi32>,
    %slice3A = vector.extract_strided_slice %get3A_55 {offsets = [0], sizes = [1], strides = [1]} : vector<16xi32> to vector<1xi32>
    %squeeze3A = vector.extract %slice3A[0] : i32 from vector<1xi32>
    %get3A_56 = arith.constant 16 : index
    %get3A_57 = tpu.vector_load %arg10[%get3A_56] {strides = array<i32>} : memref<64xi32, #tpu.memory_space<vmem>>, vector<16xi32>,
    %slice3A_58 = vector.extract_strided_slice %get3A_57 {offsets = [0], sizes = [1], strides = [1]} : vector<16xi32> to vector<1xi32>
    %squeeze3A_59 = vector.extract %slice3A_58[0] : i32 from vector<1xi32>
    %min3A = arith.constant 41 : i32
    %min3A_60 = arith.minsi %squeeze3A_59, %min3A : i32
    %scan3A_61 = arith.constant 0 : i32
    %scan3A_62 = arith.constant 0 : i32
    %scan3A_63 = arith.constant 512 : i32
    %scan3A_64 = arith.addi %scan3A_62, %scan3A_63 : i32
    %scan3A_65 = arith.constant 1 : i32
    scf.for %scan3A_105 = %scan3A_62 to %scan3A_64 step %scan3A_65  : i32 {
      %mul3A_106 = arith.constant 16 : i32
      %mul3A_107 = arith.muli %scan3A_105, %mul3A_106 : i32
      %swap3A_108 = arith.index_cast %mul3A_107 : i32 to index
      %swap3A_109 = tpu.vector_load %arg7[%swap3A_108] {strides = array<i32>} : memref<8192xi32, #tpu.memory_space<vmem>>, vector<16xi32>,
      tpu.vector_store %arg7[%swap3A_108], %broadcast_in_dim3A_9 {strides = array<i32>} : memref<8192xi32, #tpu.memory_space<vmem>>, vector<16xi32>,
    }
    %scan3A_66 = arith.constant 512 : i32
    %scan3A_67 = arith.constant 0 : i32
    %scan3A_68 = arith.constant 0 : i32
    %scan3A_69 = arith.constant 4096 : i32
    %scan3A_70 = arith.addi %scan3A_68, %scan3A_69 : i32
    %scan3A_71 = arith.constant 1 : i32
    scf.for %scan3A_105 = %scan3A_68 to %scan3A_70 step %scan3A_71  : i32 {
      %mul3A_106 = arith.constant 16 : i32
      %mul3A_107 = arith.muli %scan3A_105, %mul3A_106 : i32
      %swap3A_108 = arith.index_cast %mul3A_107 : i32 to index
      %swap3A_109 = tpu.vector_load %arg9[%swap3A_108] {strides = array<i32>} : memref<65536xf32, #tpu.memory_space<vmem>>, vector<16xf32>,
      tpu.vector_store %arg9[%swap3A_108], %broadcast_in_dim3A_7 {strides = array<i32>} : memref<65536xf32, #tpu.memory_space<vmem>>, vector<16xf32>,
    }
    %scan3A_72 = arith.constant 4096 : i32
    %broadcast_in_dim3A_73 = arith.constant 524288 : i32
    %broadcast_in_dim3A_74 = vector.broadcast %broadcast_in_dim3A_73 : i32 to vector<16xi32>
    %broadcast_in_dim3A_75 = arith.constant 8191 : i32
    %broadcast_in_dim3A_76 = vector.broadcast %broadcast_in_dim3A_75 : i32 to vector<16xi32>
    %while3A = arith.subi %min3A_60, %squeeze3A : i32
    %while3A_77 = arith.addi %squeeze3A, %while3A : i32
    %while3A_78 = arith.constant 1 : i32
    %while3A_79 = arith.divsi %while3A, %while3A_78 : i32
    %while3A_80 = arith.muli %while3A_79, %while3A_78 : i32
    %while3A_81 = arith.addi %squeeze3A, %while3A_80 : i32
    %while3A_82 = arith.constant 1 : i32
    %while3A_83 = scf.for %while3A_105 = %squeeze3A to %while3A_81 step %while3A_82 iter_args(%while3A_106 = %broadcast_in_dim3A_3) -> (vector<16xi32>)  : i32 {
      %mul3A_107 = arith.constant 4096 : i32
      %mul3A_108 = arith.muli %while3A_105, %mul3A_107 : i32
      "tpu.region"() ({
        %run_scoped3A = tpu.sem_alloc : memref<!tpu.dma_semaphore, #tpu.memory_space<semaphore_mem>>
        %dma_start3A_117 = tpu.memref_slice %arg2[%mul3A_108] : memref<167952xi32, #tpu.memory_space<hbm>> -> memref<4112xi32, #tpu.memory_space<hbm>>
        %dma_start3A_118 = tpu.memref_slice %arg2[%mul3A_108] : memref<167952xi32, #tpu.memory_space<hbm>> -> memref<4112xi32, #tpu.memory_space<hbm>>
        tpu.enqueue_dma source(%dma_start3A_118 : memref<4112xi32, #tpu.memory_space<hbm>>) target(%arg5 : memref<4112xi32, #tpu.memory_space<vmem>>) target_semaphore(%run_scoped3A : memref<!tpu.dma_semaphore, #tpu.memory_space<semaphore_mem>>)
        %dma_wait3A_119 = tpu.memref_slice %arg2[%mul3A_108] : memref<167952xi32, #tpu.memory_space<hbm>> -> memref<4112xi32, #tpu.memory_space<hbm>>
        %dma_wait3A_120 = tpu.memref_slice %arg2[%mul3A_108] : memref<167952xi32, #tpu.memory_space<hbm>> -> memref<4112xi32, #tpu.memory_space<hbm>>
        tpu.wait_dma2 semaphore(%run_scoped3A : memref<!tpu.dma_semaphore, #tpu.memory_space<semaphore_mem>>) src(%dma_wait3A_120 : memref<4112xi32, #tpu.memory_space<hbm>>) dst(%arg5 : memref<4112xi32, #tpu.memory_space<vmem>>)
        tpu.yield
      }) : () -> ()
      %mul3A_109 = arith.constant 4096 : i32
      %mul3A_110 = arith.muli %while3A_105, %mul3A_109 : i32
      "tpu.region"() ({
        %run_scoped3A = tpu.sem_alloc : memref<!tpu.dma_semaphore, #tpu.memory_space<semaphore_mem>>
        %dma_start3A_117 = tpu.memref_slice %arg3[%mul3A_110] : memref<167936xf32, #tpu.memory_space<hbm>> -> memref<4096xf32, #tpu.memory_space<hbm>>
        %dma_start3A_118 = tpu.memref_slice %arg3[%mul3A_110] : memref<167936xf32, #tpu.memory_space<hbm>> -> memref<4096xf32, #tpu.memory_space<hbm>>
        tpu.enqueue_dma source(%dma_start3A_118 : memref<4096xf32, #tpu.memory_space<hbm>>) target(%arg6 : memref<4096xf32, #tpu.memory_space<vmem>>) target_semaphore(%run_scoped3A : memref<!tpu.dma_semaphore, #tpu.memory_space<semaphore_mem>>)
        %dma_wait3A_119 = tpu.memref_slice %arg3[%mul3A_110] : memref<167936xf32, #tpu.memory_space<hbm>> -> memref<4096xf32, #tpu.memory_space<hbm>>
        %dma_wait3A_120 = tpu.memref_slice %arg3[%mul3A_110] : memref<167936xf32, #tpu.memory_space<hbm>> -> memref<4096xf32, #tpu.memory_space<hbm>>
        tpu.wait_dma2 semaphore(%run_scoped3A : memref<!tpu.dma_semaphore, #tpu.memory_space<semaphore_mem>>) src(%dma_wait3A_120 : memref<4096xf32, #tpu.memory_space<hbm>>) dst(%arg6 : memref<4096xf32, #tpu.memory_space<vmem>>)
        tpu.yield
      }) : () -> ()
      %scan3A_111 = arith.constant 0 : i32
      %scan3A_112 = arith.constant 256 : i32
      %scan3A_113 = arith.addi %scan3A_111, %scan3A_112 : i32
      %scan3A_114 = arith.constant 1 : i32
      %scan3A_115 = scf.for %scan3A_117 = %scan3A_111 to %scan3A_113 step %scan3A_114 iter_args(%scan3A_118 = %while3A_106) -> (vector<16xi32>)  : i32 {
        %mul3A_119 = arith.constant 16 : i32
        %mul3A_120 = arith.muli %scan3A_117, %mul3A_119 : i32
        %get3A_121 = arith.index_cast %mul3A_120 : i32 to index
        %get3A_122 = tpu.vector_load %arg5[%get3A_121] {strides = array<i32>} : memref<4112xi32, #tpu.memory_space<vmem>>, vector<16xi32>,
        %mul3A_123 = arith.constant 16 : i32
        %mul3A_124 = arith.muli %scan3A_117, %mul3A_123 : i32
        %add3A_125 = arith.constant 1 : i32
        %add3A_126 = arith.addi %mul3A_124, %add3A_125 : i32
        %get3A_127 = arith.index_cast %add3A_126 : i32 to index
        %get3A_128 = tpu.vector_load %arg5[%get3A_127] {strides = array<i32>} : memref<4112xi32, #tpu.memory_space<vmem>>, vector<16xi32>,
        %mul3A_129 = arith.constant 16 : i32
        %mul3A_130 = arith.muli %scan3A_117, %mul3A_129 : i32
        %get3A_131 = arith.index_cast %mul3A_130 : i32 to index
        %get3A_132 = tpu.vector_load %arg6[%get3A_131] {strides = array<i32>} : memref<4096xf32, #tpu.memory_space<vmem>>, vector<16xf32>,
        %sub3A = arith.subi %get3A_122, %mul3A_13 : vector<16xi32>
        %ge3A = arith.cmpi sge, %sub3A, %broadcast_in_dim3A_3 : vector<16xi32>
        %lt3A_133 = arith.cmpi slt, %sub3A, %broadcast_in_dim3A_74 : vector<16xi32>
        %and3A = arith.andi %ge3A, %lt3A_133 : vector<16xi1>
        %ne3A = arith.cmpi ne, %get3A_122, %get3A_128 : vector<16xi32>
        %and3A_134 = arith.andi %and3A, %ne3A : vector<16xi1>
        %select_n3A = arith.select %and3A_134, %broadcast_in_dim3A_5, %broadcast_in_dim3A_3 : vector<16xi1>, vector<16xi32>
        %broadcast_in_dim3A_135 = arith.constant true
        %broadcast_in_dim3A_136 = vector.broadcast %broadcast_in_dim3A_135 : i1 to vector<16xi1>
        %masked_cumsum3A = tpu.scan <sum>, %select_n3A masked %broadcast_in_dim3A_136 : vector<16xi32>, vector<16xi1> -> vector<16xi32>
        %add3A_137 = arith.addi %scan3A_118, %masked_cumsum3A : vector<16xi32>
        %sub3A_138 = arith.subi %add3A_137, %broadcast_in_dim3A_5 : vector<16xi32>
        %max3A = arith.maxsi %sub3A_138, %broadcast_in_dim3A_3 : vector<16xi32>
        %min3A_139 = arith.minsi %max3A, %broadcast_in_dim3A_76 : vector<16xi32>
        tpu.vector_store_idx %arg7[%min3A_139], %get3A_122 masked %and3A_134 : memref<8192xi32, #tpu.memory_space<vmem>>[vector<16xi32>], vector<16xi32>, vector<16xi1>
        tpu.vector_store_idx %arg8[%min3A_139], %get3A_132 masked %and3A_134 : memref<8192xf32, #tpu.memory_space<vmem>>[vector<16xi32>], vector<16xf32>, vector<16xi1>
        %all_reduce_population_count3A_140 = tpu.all_reduce %and3A_134 {dim = 0 : i64, kind = #tpu.reduction_kind<sum>} : vector<16xi1> -> vector<16xi32>
        %add3A_141 = arith.addi %scan3A_118, %all_reduce_population_count3A_140 : vector<16xi32>
        scf.yield %add3A_141 : vector<16xi32>
      }
      %scan3A_116 = arith.constant 256 : i32
      scf.yield %scan3A_115 : vector<16xi32>
    }
    %while3A_84 = arith.constant 1 : i32
    %while3A_85 = scf.for %while3A_105 = %while3A_81 to %while3A_77 step %while3A_84 iter_args(%while3A_106 = %while3A_83) -> (vector<16xi32>)  : i32 {
      %mul3A_107 = arith.constant 4096 : i32
      %mul3A_108 = arith.muli %while3A_105, %mul3A_107 : i32
      "tpu.region"() ({
        %run_scoped3A = tpu.sem_alloc : memref<!tpu.dma_semaphore, #tpu.memory_space<semaphore_mem>>
        %dma_start3A_117 = tpu.memref_slice %arg2[%mul3A_108] : memref<167952xi32, #tpu.memory_space<hbm>> -> memref<4112xi32, #tpu.memory_space<hbm>>
        %dma_start3A_118 = tpu.memref_slice %arg2[%mul3A_108] : memref<167952xi32, #tpu.memory_space<hbm>> -> memref<4112xi32, #tpu.memory_space<hbm>>
        tpu.enqueue_dma source(%dma_start3A_118 : memref<4112xi32, #tpu.memory_space<hbm>>) target(%arg5 : memref<4112xi32, #tpu.memory_space<vmem>>) target_semaphore(%run_scoped3A : memref<!tpu.dma_semaphore, #tpu.memory_space<semaphore_mem>>)
        %dma_wait3A_119 = tpu.memref_slice %arg2[%mul3A_108] : memref<167952xi32, #tpu.memory_space<hbm>> -> memref<4112xi32, #tpu.memory_space<hbm>>
        %dma_wait3A_120 = tpu.memref_slice %arg2[%mul3A_108] : memref<167952xi32, #tpu.memory_space<hbm>> -> memref<4112xi32, #tpu.memory_space<hbm>>
        tpu.wait_dma2 semaphore(%run_scoped3A : memref<!tpu.dma_semaphore, #tpu.memory_space<semaphore_mem>>) src(%dma_wait3A_120 : memref<4112xi32, #tpu.memory_space<hbm>>) dst(%arg5 : memref<4112xi32, #tpu.memory_space<vmem>>)
        tpu.yield
      }) : () -> ()
      %mul3A_109 = arith.constant 4096 : i32
      %mul3A_110 = arith.muli %while3A_105, %mul3A_109 : i32
      "tpu.region"() ({
        %run_scoped3A = tpu.sem_alloc : memref<!tpu.dma_semaphore, #tpu.memory_space<semaphore_mem>>
        %dma_start3A_117 = tpu.memref_slice %arg3[%mul3A_110] : memref<167936xf32, #tpu.memory_space<hbm>> -> memref<4096xf32, #tpu.memory_space<hbm>>
        %dma_start3A_118 = tpu.memref_slice %arg3[%mul3A_110] : memref<167936xf32, #tpu.memory_space<hbm>> -> memref<4096xf32, #tpu.memory_space<hbm>>
        tpu.enqueue_dma source(%dma_start3A_118 : memref<4096xf32, #tpu.memory_space<hbm>>) target(%arg6 : memref<4096xf32, #tpu.memory_space<vmem>>) target_semaphore(%run_scoped3A : memref<!tpu.dma_semaphore, #tpu.memory_space<semaphore_mem>>)
        %dma_wait3A_119 = tpu.memref_slice %arg3[%mul3A_110] : memref<167936xf32, #tpu.memory_space<hbm>> -> memref<4096xf32, #tpu.memory_space<hbm>>
        %dma_wait3A_120 = tpu.memref_slice %arg3[%mul3A_110] : memref<167936xf32, #tpu.memory_space<hbm>> -> memref<4096xf32, #tpu.memory_space<hbm>>
        tpu.wait_dma2 semaphore(%run_scoped3A : memref<!tpu.dma_semaphore, #tpu.memory_space<semaphore_mem>>) src(%dma_wait3A_120 : memref<4096xf32, #tpu.memory_space<hbm>>) dst(%arg6 : memref<4096xf32, #tpu.memory_space<vmem>>)
        tpu.yield
      }) : () -> ()
      %scan3A_111 = arith.constant 0 : i32
      %scan3A_112 = arith.constant 256 : i32
      %scan3A_113 = arith.addi %scan3A_111, %scan3A_112 : i32
      %scan3A_114 = arith.constant 1 : i32
      %scan3A_115 = scf.for %scan3A_117 = %scan3A_111 to %scan3A_113 step %scan3A_114 iter_args(%scan3A_118 = %while3A_106) -> (vector<16xi32>)  : i32 {
        %mul3A_119 = arith.constant 16 : i32
        %mul3A_120 = arith.muli %scan3A_117, %mul3A_119 : i32
        %get3A_121 = arith.index_cast %mul3A_120 : i32 to index
        %get3A_122 = tpu.vector_load %arg5[%get3A_121] {strides = array<i32>} : memref<4112xi32, #tpu.memory_space<vmem>>, vector<16xi32>,
        %mul3A_123 = arith.constant 16 : i32
        %mul3A_124 = arith.muli %scan3A_117, %mul3A_123 : i32
        %add3A_125 = arith.constant 1 : i32
        %add3A_126 = arith.addi %mul3A_124, %add3A_125 : i32
        %get3A_127 = arith.index_cast %add3A_126 : i32 to index
        %get3A_128 = tpu.vector_load %arg5[%get3A_127] {strides = array<i32>} : memref<4112xi32, #tpu.memory_space<vmem>>, vector<16xi32>,
        %mul3A_129 = arith.constant 16 : i32
        %mul3A_130 = arith.muli %scan3A_117, %mul3A_129 : i32
        %get3A_131 = arith.index_cast %mul3A_130 : i32 to index
        %get3A_132 = tpu.vector_load %arg6[%get3A_131] {strides = array<i32>} : memref<4096xf32, #tpu.memory_space<vmem>>, vector<16xf32>,
        %sub3A = arith.subi %get3A_122, %mul3A_13 : vector<16xi32>
        %ge3A = arith.cmpi sge, %sub3A, %broadcast_in_dim3A_3 : vector<16xi32>
        %lt3A_133 = arith.cmpi slt, %sub3A, %broadcast_in_dim3A_74 : vector<16xi32>
        %and3A = arith.andi %ge3A, %lt3A_133 : vector<16xi1>
        %ne3A = arith.cmpi ne, %get3A_122, %get3A_128 : vector<16xi32>
        %and3A_134 = arith.andi %and3A, %ne3A : vector<16xi1>
        %select_n3A = arith.select %and3A_134, %broadcast_in_dim3A_5, %broadcast_in_dim3A_3 : vector<16xi1>, vector<16xi32>
        %broadcast_in_dim3A_135 = arith.constant true
        %broadcast_in_dim3A_136 = vector.broadcast %broadcast_in_dim3A_135 : i1 to vector<16xi1>
        %masked_cumsum3A = tpu.scan <sum>, %select_n3A masked %broadcast_in_dim3A_136 : vector<16xi32>, vector<16xi1> -> vector<16xi32>
        %add3A_137 = arith.addi %scan3A_118, %masked_cumsum3A : vector<16xi32>
        %sub3A_138 = arith.subi %add3A_137, %broadcast_in_dim3A_5 : vector<16xi32>
        %max3A = arith.maxsi %sub3A_138, %broadcast_in_dim3A_3 : vector<16xi32>
        %min3A_139 = arith.minsi %max3A, %broadcast_in_dim3A_76 : vector<16xi32>
        tpu.vector_store_idx %arg7[%min3A_139], %get3A_122 masked %and3A_134 : memref<8192xi32, #tpu.memory_space<vmem>>[vector<16xi32>], vector<16xi32>, vector<16xi1>
        tpu.vector_store_idx %arg8[%min3A_139], %get3A_132 masked %and3A_134 : memref<8192xf32, #tpu.memory_space<vmem>>[vector<16xi32>], vector<16xf32>, vector<16xi1>
        %all_reduce_population_count3A_140 = tpu.all_reduce %and3A_134 {dim = 0 : i64, kind = #tpu.reduction_kind<sum>} : vector<16xi1> -> vector<16xi32>
        %add3A_141 = arith.addi %scan3A_118, %all_reduce_population_count3A_140 : vector<16xi32>
        scf.yield %add3A_141 : vector<16xi32>
      }
      %scan3A_116 = arith.constant 256 : i32
      scf.yield %scan3A_115 : vector<16xi32>
    }
    %swap3A_86 = arith.constant 0 : index
    %swap3A_87 = tpu.vector_load %arg10[%swap3A_86] {strides = array<i32>} : memref<64xi32, #tpu.memory_space<vmem>>, vector<16xi32>,
    tpu.vector_store %arg10[%swap3A_86], %while3A_85 {strides = array<i32>} : memref<64xi32, #tpu.memory_space<vmem>>, vector<16xi32>,
    %get3A_88 = arith.constant 0 : index
    %get3A_89 = tpu.vector_load %arg10[%get3A_88] {strides = array<i32>} : memref<64xi32, #tpu.memory_space<vmem>>, vector<16xi32>,
    %slice3A_90 = vector.extract_strided_slice %get3A_89 {offsets = [0], sizes = [1], strides = [1]} : vector<16xi32> to vector<1xi32>
    %squeeze3A_91 = vector.extract %slice3A_90[0] : i32 from vector<1xi32>
    %add3A_92 = arith.constant 15 : i32
    %add3A_93 = arith.addi %squeeze3A_91, %add3A_92 : i32
    %div3A = arith.constant 16 : i32
    %div3A_94 = arith.divsi %add3A_93, %div3A : i32
    %broadcast_in_dim3A_95 = arith.constant 65536 : i32
    %broadcast_in_dim3A_96 = vector.broadcast %broadcast_in_dim3A_95 : i32 to vector<16xi32>
    %broadcast_in_dim3A_97 = arith.constant 65535 : i32
    %broadcast_in_dim3A_98 = vector.broadcast %broadcast_in_dim3A_97 : i32 to vector<16xi32>
    %scan3A_99 = arith.constant 0 : i32
    %scan3A_100 = arith.constant 0 : i32
    %scan3A_101 = arith.constant 8 : i32
    %scan3A_102 = arith.addi %scan3A_100, %scan3A_101 : i32
    %scan3A_103 = arith.constant 1 : i32
    scf.for %scan3A_105 = %scan3A_100 to %scan3A_102 step %scan3A_103  : i32 {
      %mul3A_106 = arith.constant 65536 : i32
      %mul3A_107 = arith.muli %scan3A_105, %mul3A_106 : i32
      %add3A_108 = arith.addi %mul3A_2, %mul3A_107 : i32
      %broadcast_in_dim3A_109 = vector.broadcast %add3A_108 : i32 to vector<16xi32>
      %while3A_110 = arith.constant 0 : i32
      %while3A_111 = arith.constant 0 : i32
      %while3A_112 = arith.subi %div3A_94, %while3A_111 : i32
      %while3A_113 = arith.addi %while3A_111, %while3A_112 : i32
      %while3A_114 = arith.constant 1 : i32
      %while3A_115 = arith.divsi %while3A_112, %while3A_114 : i32
      %while3A_116 = arith.muli %while3A_115, %while3A_114 : i32
      %while3A_117 = arith.addi %while3A_111, %while3A_116 : i32
      %while3A_118 = arith.constant 1 : i32
      scf.for %while3A_130 = %while3A_111 to %while3A_117 step %while3A_118  : i32 {
        %mul3A_131 = arith.constant 16 : i32
        %mul3A_132 = arith.muli %while3A_130, %mul3A_131 : i32
        %get3A_133 = arith.index_cast %mul3A_132 : i32 to index
        %get3A_134 = tpu.vector_load %arg7[%get3A_133] {strides = array<i32>} : memref<8192xi32, #tpu.memory_space<vmem>>, vector<16xi32>,
        %mul3A_135 = arith.constant 16 : i32
        %mul3A_136 = arith.muli %while3A_130, %mul3A_135 : i32
        %get3A_137 = arith.index_cast %mul3A_136 : i32 to index
        %get3A_138 = tpu.vector_load %arg8[%get3A_137] {strides = array<i32>} : memref<8192xf32, #tpu.memory_space<vmem>>, vector<16xf32>,
        %sub3A = arith.subi %get3A_134, %broadcast_in_dim3A_109 : vector<16xi32>
        %ge3A = arith.cmpi sge, %sub3A, %broadcast_in_dim3A_3 : vector<16xi32>
        %lt3A_139 = arith.cmpi slt, %sub3A, %broadcast_in_dim3A_96 : vector<16xi32>
        %and3A = arith.andi %ge3A, %lt3A_139 : vector<16xi1>
        %max3A = arith.maxsi %sub3A, %broadcast_in_dim3A_3 : vector<16xi32>
        %min3A_140 = arith.minsi %max3A, %broadcast_in_dim3A_98 : vector<16xi32>
        tpu.vector_store_idx %arg9[%min3A_140], %get3A_138 masked %and3A : memref<65536xf32, #tpu.memory_space<vmem>>[vector<16xi32>], vector<16xf32>, vector<16xi1>
      }
      %while3A_119 = arith.constant 1 : i32
      scf.for %while3A_130 = %while3A_117 to %while3A_113 step %while3A_119  : i32 {
        %mul3A_131 = arith.constant 16 : i32
        %mul3A_132 = arith.muli %while3A_130, %mul3A_131 : i32
        %get3A_133 = arith.index_cast %mul3A_132 : i32 to index
        %get3A_134 = tpu.vector_load %arg7[%get3A_133] {strides = array<i32>} : memref<8192xi32, #tpu.memory_space<vmem>>, vector<16xi32>,
        %mul3A_135 = arith.constant 16 : i32
        %mul3A_136 = arith.muli %while3A_130, %mul3A_135 : i32
        %get3A_137 = arith.index_cast %mul3A_136 : i32 to index
        %get3A_138 = tpu.vector_load %arg8[%get3A_137] {strides = array<i32>} : memref<8192xf32, #tpu.memory_space<vmem>>, vector<16xf32>,
        %sub3A = arith.subi %get3A_134, %broadcast_in_dim3A_109 : vector<16xi32>
        %ge3A = arith.cmpi sge, %sub3A, %broadcast_in_dim3A_3 : vector<16xi32>
        %lt3A_139 = arith.cmpi slt, %sub3A, %broadcast_in_dim3A_96 : vector<16xi32>
        %and3A = arith.andi %ge3A, %lt3A_139 : vector<16xi1>
        %max3A = arith.maxsi %sub3A, %broadcast_in_dim3A_3 : vector<16xi32>
        %min3A_140 = arith.minsi %max3A, %broadcast_in_dim3A_98 : vector<16xi32>
        tpu.vector_store_idx %arg9[%min3A_140], %get3A_138 masked %and3A : memref<65536xf32, #tpu.memory_space<vmem>>[vector<16xi32>], vector<16xf32>, vector<16xi1>
      }
      "tpu.region"() ({
        %run_scoped3A = tpu.sem_alloc : memref<!tpu.dma_semaphore, #tpu.memory_space<semaphore_mem>>
        %dma_start3A_130 = tpu.memref_slice %arg4[%add3A_108] : memref<16777216xf32, #tpu.memory_space<hbm>> -> memref<65536xf32, #tpu.memory_space<hbm>>
        %dma_start3A_131 = tpu.memref_slice %arg4[%add3A_108] : memref<16777216xf32, #tpu.memory_space<hbm>> -> memref<65536xf32, #tpu.memory_space<hbm>>
        tpu.enqueue_dma source(%arg9 : memref<65536xf32, #tpu.memory_space<vmem>>) target(%dma_start3A_131 : memref<65536xf32, #tpu.memory_space<hbm>>) target_semaphore(%run_scoped3A : memref<!tpu.dma_semaphore, #tpu.memory_space<semaphore_mem>>)
        %dma_wait3A_132 = tpu.memref_slice %arg4[%add3A_108] : memref<16777216xf32, #tpu.memory_space<hbm>> -> memref<65536xf32, #tpu.memory_space<hbm>>
        %dma_wait3A_133 = tpu.memref_slice %arg4[%add3A_108] : memref<16777216xf32, #tpu.memory_space<hbm>> -> memref<65536xf32, #tpu.memory_space<hbm>>
        tpu.wait_dma2 semaphore(%run_scoped3A : memref<!tpu.dma_semaphore, #tpu.memory_space<semaphore_mem>>) src(%arg9 : memref<65536xf32, #tpu.memory_space<vmem>>) dst(%dma_wait3A_133 : memref<65536xf32, #tpu.memory_space<hbm>>)
        tpu.yield
      }) : () -> ()
      %while3A_120 = arith.constant 0 : i32
      %while3A_121 = arith.constant 0 : i32
      %while3A_122 = arith.subi %div3A_94, %while3A_121 : i32
      %while3A_123 = arith.addi %while3A_121, %while3A_122 : i32
      %while3A_124 = arith.constant 1 : i32
      %while3A_125 = arith.divsi %while3A_122, %while3A_124 : i32
      %while3A_126 = arith.muli %while3A_125, %while3A_124 : i32
      %while3A_127 = arith.addi %while3A_121, %while3A_126 : i32
      %while3A_128 = arith.constant 1 : i32
      scf.for %while3A_130 = %while3A_121 to %while3A_127 step %while3A_128  : i32 {
        %mul3A_131 = arith.constant 16 : i32
        %mul3A_132 = arith.muli %while3A_130, %mul3A_131 : i32
        %get3A_133 = arith.index_cast %mul3A_132 : i32 to index
        %get3A_134 = tpu.vector_load %arg7[%get3A_133] {strides = array<i32>} : memref<8192xi32, #tpu.memory_space<vmem>>, vector<16xi32>,
        %sub3A = arith.subi %get3A_134, %broadcast_in_dim3A_109 : vector<16xi32>
        %ge3A = arith.cmpi sge, %sub3A, %broadcast_in_dim3A_3 : vector<16xi32>
        %lt3A_135 = arith.cmpi slt, %sub3A, %broadcast_in_dim3A_96 : vector<16xi32>
        %and3A = arith.andi %ge3A, %lt3A_135 : vector<16xi1>
        %max3A = arith.maxsi %sub3A, %broadcast_in_dim3A_3 : vector<16xi32>
        %min3A_136 = arith.minsi %max3A, %broadcast_in_dim3A_98 : vector<16xi32>
        tpu.vector_store_idx %arg9[%min3A_136], %broadcast_in_dim3A_7 masked %and3A : memref<65536xf32, #tpu.memory_space<vmem>>[vector<16xi32>], vector<16xf32>, vector<16xi1>
      }
      %while3A_129 = arith.constant 1 : i32
      scf.for %while3A_130 = %while3A_127 to %while3A_123 step %while3A_129  : i32 {
        %mul3A_131 = arith.constant 16 : i32
        %mul3A_132 = arith.muli %while3A_130, %mul3A_131 : i32
        %get3A_133 = arith.index_cast %mul3A_132 : i32 to index
        %get3A_134 = tpu.vector_load %arg7[%get3A_133] {strides = array<i32>} : memref<8192xi32, #tpu.memory_space<vmem>>, vector<16xi32>,
        %sub3A = arith.subi %get3A_134, %broadcast_in_dim3A_109 : vector<16xi32>
        %ge3A = arith.cmpi sge, %sub3A, %broadcast_in_dim3A_3 : vector<16xi32>
        %lt3A_135 = arith.cmpi slt, %sub3A, %broadcast_in_dim3A_96 : vector<16xi32>
        %and3A = arith.andi %ge3A, %lt3A_135 : vector<16xi1>
        %max3A = arith.maxsi %sub3A, %broadcast_in_dim3A_3 : vector<16xi32>
        %min3A_136 = arith.minsi %max3A, %broadcast_in_dim3A_98 : vector<16xi32>
        tpu.vector_store_idx %arg9[%min3A_136], %broadcast_in_dim3A_7 masked %and3A : memref<65536xf32, #tpu.memory_space<vmem>>[vector<16xi32>], vector<16xf32>, vector<16xi1>
      }
    }
    %scan3A_104 = arith.constant 8 : i32
    return
  }
}

</mosaic_0001>

<sc_bundles>
// kernel: kernel.3.cloned.1.call-start
scs
__scs_entry_jumppad:
0x0: {  	(pc) =	sbr.rel $0x88, $3  }
0x1: {  	(tag) =	ssettag $0x0;
	lr =	simm.s32 $0x1  }
0x2: {  	[smem:$0x3F9F] =	sst lr;
	_ =	strace $0xD0000000  }
0x3: {  	_ = 	snop  }
0x4: {  	_ = 	snop  }
0x5: {  	_ = 	snop  }
0x6: {  	_ = 	snop  }
0x7: {  	_ = 	snop  }
__scs_overlays_trampoline_lowered:
0x8: {  	[smem:$0x3FAE] =	sst s0  }
0x9: {  	[smem:$0x3FAF] =	sst s1  }
0xa: {  	[smem:$0x3FB0] =	sst s2  }
0xb: {  	[smem:$0x3FB1] =	sst s3  }
0xc: {  	[smem:$0x3FB2] =	sst s4  }
0xd: {  	[smem:$0x3FB3] =	sst s5  }
0xe: {  	[smem:$0x3FB4] =	sst s6  }
0xf: {  	[smem:$0x3FB5] =	sst s7  }
0x10: {  	[smem:$0x3FB6] =	sst s8  }
0x11: {  	[smem:$0x3FB7] =	sst s9;
	s0 =	simm.s32 @!p0 $0x0  }
0x12: {  	s1 =	sld [smem:$0x3F9D];
	s0 =	simm.s32 @p0 $0x1  }
0x13: {  	[smem:$0x3FB8] =	sst s0;
	s0 =	simm.s32 @!p1 $0x0  }
0x14: {  	s2 =	sld [smem:$0x3F9C];
	s0 =	simm.s32 @p1 $0x1  }
0x15: {  	[smem:$0x3FB9] =	sst s0;
	s0 =	simm.s32 @!p2 $0x0  }
0x16: {  	s3 =	sld [smem:$0x3FDB];
	s0 =	simm.s32 @p2 $0x1  }
0x17: {  	s4 =	simm.s32 $0x1BF5;
	[smem:$0x3FBB] =	sst s0  }
0x18: {  	s0 =	sld [smem:$0x3F9E];
	_ =	swait.ge [sflag:s4], $0x0  }
0x19: {  	s7 =	sld [smem:$0x3F9F]  }
0x1a: {  	s8 =	sadd.s32 $0xFFFFE003, lr  }
0x1b: {  	s9 =	sadd.s32 $0xFFFFFEF7, lr;
	s5 =	simm.s32 $0xFFFFFFFF;
	p2 =	slt.u32 s8, $0xFFFFF086  }
0x1c: {  	p1 =	slt.u32 s9, $0xF7A;
	s5 =	simm.s32 @!p2 $0x0  }
0x1d: {  	s5 =	simm.s32 @p1 $0x1;
	p0 =	seq.s32 s7, s2  }
0x1e: {  	s7 =	smul.u32 @!p0 $0xF7A, s2;
	p2 =	seq.s32 @!p0 s5, $0x0  }
0x1f: {  	s9 =	smul.u32 $0xF7A, s1;
	s8 =	simm.s32 @!p0 $0x1BF5;
	p2 =	por !p2, p0  }
0x20: {  	[sflag:s8] =	ssyncset.s32 @!p0 $0xFFFFF086;
	s6 =	sadd.s32 @!p0 s3, s7;
	s7 =	simm.s32 @!p0 $0x108  }
0x21: {  	s3 =	sadd.s32 s3, s9;
	s6 =	sadd.s32 @!p0 $0x88, s6;
	s7 =	simm.s32 @p2 $0x1082  }
0x22: {  	[simem:s7], [sflag:s8] =	dma.local @!p0 [hbm:s6], $0xF7A  }
0x23: {  	s9 =	sor.u32 $0xD0000000, s2;
	s6 =	simm.s32 $0x108;
	_ =	swait.ge @!p0 [sflag:s8], $0x0  }
0x24: {  	s3 =	sadd.s32 $0x88, s3;
	s6 =	simm.s32 @!p1 $0x1082;
	[sflag:s4] =	ssyncset.s32 $0xFFFFF086  }
0x25: {  	[simem:s6], [sflag:s4] =	dma.local [hbm:s3], $0xF7A  }
0x26: {  	[smem:$0x3F9F] =	sst s1;
	(tag) =	ssettag s2;
	_ =	strace s9  }
0x27: {  	s1 =	sld [smem:$0x3FAF]  }
0x28: {  	s2 =	sld [smem:$0x3FB0]  }
0x29: {  	s4 =	sld [smem:$0x3FB2]  }
0x2a: {  	p0 =	seq.s32 s5, $0x0;
	s5 =	sld [smem:$0x3FB3]  }
0x2b: {  	s6 =	sld [smem:$0x3FB4]  }
0x2c: {  	s7 =	sld [smem:$0x3FB5]  }
0x2d: {  	s3 =	simm.s32 $0x108;
	s8 =	sld [smem:$0x3FB6]  }
0x2e: {  	s3 =	simm.s32 @!p0 $0x1082;
	s9 =	sld [smem:$0x3FB7]  }
0x2f: {  	lr =	sadd.s32 s0, s3;
	s0 =	sld [smem:$0x3FAE]  }
0x30: {  	s3 =	sld [smem:$0x3FB1]  }
0x31: {  	[smem:$0x3FBA] =	sst s10  }
0x32: {  	s10 =	sld [smem:$0x3FB8];
	_ =	sdelay $0x3  }
0x33: {  	p0 =	seq.s32 s10, $0x1;
	s10 =	sld [smem:$0x3FBA];
	_ =	sdelay $0x3  }
0x34: {  	[smem:$0x3FBA] =	sst s10  }
0x35: {  	s10 =	sld [smem:$0x3FB9];
	_ =	sdelay $0x3  }
0x36: {  	p1 =	seq.s32 s10, $0x1;
	s10 =	sld [smem:$0x3FBA];
	_ =	sdelay $0x3  }
0x37: {  	[smem:$0x3FBA] =	sst s10  }
0x38: {  	s10 =	sld [smem:$0x3FBB]  }
0x39: {  	_ = 	snop;
	(pc) =	sbr.ind lr, $3  }
0x3a: {  	_ = 	snop  }
0x3b: {  	_ = 	snop  }
0x3c: {  	p2 =	seq.s32 s10, $0x1;
	s10 =	sld [smem:$0x3FBA]  }
0x3d: {  	_ =	shalt  }
0x3e: {  	_ =	shalt  }
0x3f: {  	_ =	shalt  }
0x40: {  	_ =	shalt  }
0x41: {  	_ =	shalt  }
0x42: {  	_ =	shalt  }
0x43: {  	_ =	shalt  }
0x44: {  	_ =	shalt  }
0x45: {  	_ =	shalt  }
0x46: {  	_ =	shalt  }
0x47: {  	_ =	shalt  }
0x48: {  	_ =	shalt  }
0x49: {  	_ =	shalt  }
0x4a: {  	_ =	shalt  }
0x4b: {  	_ =	shalt  }
0x4c: {  	_ =	shalt  }
0x4d: {  	_ =	shalt  }
0x4e: {  	_ =	shalt  }
0x4f: {  	_ =	shalt  }
0x50: {  	_ =	shalt  }
0x51: {  	_ =	shalt  }
0x52: {  	_ =	shalt  }
0x53: {  	_ =	shalt  }
0x54: {  	_ =	shalt  }
0x55: {  	_ =	shalt  }
0x56: {  	_ =	shalt  }
0x57: {  	_ =	shalt  }
0x58: {  	_ =	shalt  }
0x59: {  	_ =	shalt  }
0x5a: {  	_ =	shalt  }
0x5b: {  	_ =	shalt  }
0x5c: {  	_ =	shalt  }
0x5d: {  	_ =	shalt  }
0x5e: {  	_ =	shalt  }
0x5f: {  	_ =	shalt  }
0x60: {  	_ =	shalt  }
0x61: {  	_ =	shalt  }
0x62: {  	_ =	shalt  }
0x63: {  	_ =	shalt  }
0x64: {  	_ =	shalt  }
0x65: {  	_ =	shalt  }
0x66: {  	_ =	shalt  }
0x67: {  	_ =	shalt  }
0x68: {  	_ =	shalt  }
0x69: {  	_ =	shalt  }
0x6a: {  	_ =	shalt  }
0x6b: {  	_ =	shalt  }
0x6c: {  	_ =	shalt  }
0x6d: {  	_ =	shalt  }
0x6e: {  	_ =	shalt  }
0x6f: {  	_ =	shalt  }
0x70: {  	_ =	shalt  }
0x71: {  	_ =	shalt  }
0x72: {  	_ =	shalt  }
0x73: {  	_ =	shalt  }
0x74: {  	_ =	shalt  }
0x75: {  	_ =	shalt  }
0x76: {  	_ =	shalt  }
0x77: {  	_ =	shalt  }
0x78: {  	_ =	shalt  }
0x79: {  	_ =	shalt  }
0x7a: {  	_ =	shalt  }
0x7b: {  	_ =	shalt  }
0x7c: {  	_ =	shalt  }
0x7d: {  	_ =	shalt  }
0x7e: {  	_ =	shalt  }
0x7f: {  	_ =	shalt  }
0x80: {  	_ =	shalt  }
0x81: {  	_ =	shalt  }
0x82: {  	_ =	shalt  }
0x83: {  	_ =	shalt  }
0x84: {  	_ =	shalt  }
0x85: {  	_ =	shalt  }
0x86: {  	_ =	shalt  }
0x87: {  	_ =	shalt  }
.Lfunc_end0:
.L_simem_size_0:
called_computation_lowered:
.L_overlay_start_0:
0x88: {  	s2 =	sld [smem:$0x3FD9]  }
0x89: {  	s3 =	sld [smem:$0x3FFE];
	_ =	sdelay $0x1  }
0x8a: {  	s1 =	srdreg.scid  }
0x8b: {  	s0 =	sand.u32 $0x1, s1  }
0x8c: {  	s17 =	sshll.u32 s0, $0xA;
	s2 =	sadd.s32 s3, s2  }
0x8d: {  	s2 =	sadd.s32 s2, s17  }
0x8e: {  	[smem:$0x3FC6] =	sst s2  }
0x8f: {  	_ = 	snop  }
0x90: {  	s2 =	sld [smem:$0x3FD0];
	(tm) =	ssettm $0x1  }
0x91: {  	s18 =	sld [smem:$0x3FFB];
	_ =	sdelay $0x3  }
0x92: {  	_ =	strace s18  }
0x93: {  	s3 =	sld [smem:$0x3FFC];
	_ =	sdelay $0x3  }
0x94: {  	_ =	strace s3  }
0x95: {  	s3 =	sld [smem:$0x3FFD];
	_ =	sdelay $0x3  }
0x96: {  	_ =	strace s3  }
0x97: {  	_ =	strace $0x8FFFFFFF  }
0x98: {  	s19 =	sld [smem:$0x3FDB];
	_ =	sdelay $0x1  }
0x99: {  	s4 =	simm.s32 $_scs_section_size  }
0x9a: {  	s5 =	simm.s32 $_size__tile_overlayer_lowered;
	s6 =	simm.s32 $_tile_overlayer_lowered  }
0x9b: {  	s22 =	simm.s32 $0x1BFF;
	s21 =	sshll.u32 s6, $0x1;
	s3 =	sadd.s32 s4, s19  }
0x9c: {  	s7 =	simm.s32 $0x0;
	s20 =	sshll.u32 s5, $0x1;
	s5 =	sadd.s32 s21, s3  }
0x9d: {  	[timem:s7], [sflag:s22] =	dma.local [hbm:s5], s20  }
0x9e: {  	_ =	swait.ge [sflag:s22], s20  }
0x9f: {  	s4 =	ssub.s32 $0x0, s20;
	[sflag:s22] =	ssyncset.done $0x0  }
0xa0: {  	[sflag:s22] =	ssyncadd.s32 s4;
	_ =	sdelay $0x1  }
0xa1: {  	s23 =	simm.s32 $0x1B8B  }
0xa2: {  	_ =	swait.ge [sflag:s23], $0x1  }
0xa3: {  	[sflag:s23] =	ssyncset.done $0x0  }
0xa4: {  	s25 =	simm.s32 $0x1B8E;
	s24 =	sld [smem:$0x3FFE];
	[sflag:s23] =	ssyncadd.s32 $0xFFFFFFFF  }
0xa5: {  	s26 =	simm.s32 $execute0_lowered;
	[smem:$0x3FD2] =	sst s25  }
0xa6: {  	s5 =	sshll.u32 s26, $0x1;
	_ =	strace $0x80000046;
	[dreg:$0x1] =	wrdreg $0xFFFFFFFF  }
0xa7: {  	s28 =	simm.s32 $_size_execute0_lowered;
	s3 =	sadd.s32 s3, s5;
	[dreg:$0x0] =	wrdreg $0x0  }
0xa8: {  	s5 =	sshll.u32 s28, $0x1;
	[dreg:$0x2] =	wrdreg s3  }
0xa9: {  	[dreg:$0x3] =	wrdreg s5  }
0xaa: {  	[dreg:$0x4] =	wrdreg $0xC0  }
0xab: {  	_ =	task [dreg:s7], $0x5FFFF  }
0xac: {  	[dreg:$0x1] =	wrdreg $0xFFFFFFFF  }
0xad: {  	[dreg:$0x0] =	wrdreg $0x60  }
0xae: {  	[dreg:$0x2] =	wrdreg s2  }
0xaf: {  	[dreg:$0x3] =	wrdreg s24  }
0xb0: {  	[dreg:$0x4] =	wrdreg $0x9  }
0xb1: {  	_ =	task.clear_ibuf [dreg:s7], $0x5FFFF;
	_ =	strace $0x90000046  }
0xb2: {  	s29 =	simm.s32 $0x9;
	_ =	strace $0x80000048  }
0xb3: {  	_ =	swait.ge [sflag:s29], $0x1  }
0xb4: {  	[sflag:s29] =	ssyncadd.s32 $0xFFFFFFFF  }
0xb5: {  	_ =	strace $0x90000048  }
0xb6: {  	_ =	sfence  }
0xb7: {  	s30 =	sld [smem:$0x0];
	_ =	sdelay $0x2  }
0xb8: {  	s31 =	sshll.u32 s1, $0xD;
	s1 =	sshrl.u32 s1, $0x2  }
0xb9: {  	s3 =	sand.u32 $0x4000, s31;
	s1 =	sadd.s32 s1, s30  }
0xba: {  	s0 =	sor.u32 s3, s0;
	s1 =	sshll.u32 s1, $0x11  }
0xbb: {  	s0 =	sor.u32 s1, s0  }
0xbc: {  	s0 =	sadd.s32 $0x8F2B, s0  }
0xbd: {  	[sflag:s0] =	ssyncadd.remote.s32 $0x1  }
0xbe: {  	_ =	sfence.sel $0xFFFF  }
0xbf: {  	[dreg:$0x0] =	wrdreg $0xFFFFFFFF;
	(pc) =	sbr.abs _section_cstart, $3  }
0xc0: {  	[dreg:$0x1] =	wrdreg $0xFFFFFFFF  }
0xc1: {  	_ =	task.clear_ibuf [dreg:s7], $0x2FFFF;
	_ =	strace $0x9FFFFFFF  }
0xc2: {  	(tm) =	ssettm $0x7FFFFFFF  }
0xc3: {  	_ =	shalt  }
tec
execute0_lowered:
.L_overlay_start_1:
0x0: {  	(tag) =	ssettag $0x1  }
0x1: {  	s1 =	rddreg [dreg:$0x0]  }
0x2: {  	vm0 =	vcmask $0x300;
	v0 =	vimm.s32 $0x29000;
	s2 =	rddreg [dreg:$0x1]  }
0x3: {  	vm8 =	vcmask $0x704;
	s0 =	rddreg [dreg:$0x2];
	s3 =	simm.s32 $0x0;
	v1 =	vsel vm0, $0x20000, v0  }
0x4: {  	s4 =	srdreg.scid;
	vm9 =	vcmask $0xB08;
	s9 =	simm.s32 $0x16080;
	s10 =	simm.s32 $0x16100;
	v1 =	vsel vm8, $0x21000, v1  }
0x5: {  	vm10 =	vcmask $0xF0C;
	vm11 =	vcmask $0x1310;
	s11 =	simm.s32 $0x1;
	s12 =	simm.s32 $0x2;
	s13 =	simm.s32 $0x1080;
	v1 =	vsel vm9, $0x22000, v1  }
0x6: {  	vm12 =	vcmask $0x1714;
	v2 =	vlaneseq.u32;
	s14 =	simm.s32 $0x2080;
	s15 =	simm.s32 $0x4080;
	s16 =	simm.s32 $0x6080;
	v1 =	vsel vm10, $0x23000, v1  }
.Ltmp0:
0x7: {  	vm13 =	vcmask $0x1B18;
	vm14 =	vcmask $0x1F1C;
	s6 =	sand.u32 $0x1, s4;
	s4 =	stileid.u32;
	v1 =	vsel vm11, $0x24000, v1;
	(pc) =	sbr.rel .LBB2_1-.Ltmp0, $4  }
0x8: {  	vm15 =	vcmask $0x2320;
	v6 =	vimm.s32 $0x1000000;
	s7 =	ssub.s32 $0x2, s6;
	s31 =	sshll.u32 s4, $0x14;
	s6 =	sshll.u32 s6, $0x13;
	v3 =	vsel vm12, $0x25000, v1  }
0x9: {  	v7 =	vimm.f32 $0.0e+00;
	s17 =	simm.s32 $0x0;
	s8 =	sshrl.u32 s7, $0x1;
	s6 =	sor.u32 s6, s31;
	v1 =	vmul.u32 $0x1000, v2;
	v3 =	vsel vm13, $0x26000, v3  }
0xa: {  	v8 =	vimm.s32 $0x0;
	[smem:$0x7FF] =	sst s3;
	s5 =	sadd.s32 $0x5200, s2;
	s7 =	ssub.s32 s7, s8;
	v2 =	vmov s6;
	v5 =	vsel vm14, $0x27000, v3  }
0xb: {  	_ =	strace $0x80000047;
	s8 =	simm.s32 $0x40;
	s7 =	smax.u32 s7, $0x1;
	v3 =	vadd.s32 $0x80000, v2;
	v4 =	vor.u32 $0x10000, v1;
	v5 =	vsel vm15, $0x28000, v5  }
.LBB2_22:
0xc: {  	s17 =	sadd.s32 $0x1, s17  }
0xd: {  	p0 =	sne.s32 s17, s7  }
.Ltmp1:
0xe: {  	_ = 	snop;
	(pc) =	sbr.rel @!p0 .LBB2_23-.Ltmp1, $1  }
0xf: {  	_ =	sdelay $0x3  }
.LBB2_1:
0x10: {  	[tilespmem:$0x16080] =	vst v1  }
0x11: {  	[tilespmem:$0x16090] =	vst v4  }
0x12: {  	[tilespmem:$0x160A0] =	vst v5  }
0x13: {  	[tilespmem:$0x160B0] =	vst v0  }
0x14: {  	[tilespmem:s10], [sflag:$0x1] =	stream.indirect.gather [hbm4b:s1+s8], $0x1, s9, s8, $0xb8;
	[tilespmem:$0x16180] =	vst v63  }
0x15: {  	_ =	swait.ge [sflag:s11], $0x40  }
0x16: {  	[sflag:s11] =	ssyncset.done $0x0  }
0x17: {  	[sflag:s11] =	ssyncadd.s32 $0xFFFFFFC0  }
0x18: {  	v9 =	vld [tilespmem:$0x16101]  }
0x19: {  	v10 =	vld [tilespmem:$0x16100]  }
0x1a: {  	v11 =	vld [tilespmem:$0x16111]  }
0x1b: {  	v12 =	vld [tilespmem:$0x16110]  }
0x1c: {  	v13 =	vld [tilespmem:$0x16121]  }
0x1d: {  	v14 =	vld [tilespmem:$0x16120];
	_ =	sdelay $0x1  }
0x1e: {  	vm0 =	vlt.s32 v9, v2;
	vm1 =	vlt.s32 v10, v3  }
0x1f: {  	vm12 =	vlt.s32 v11, v2;
	vm13 =	vlt.s32 v12, v3;
	v9 =	vmpcnt.ones.xlane vm0  }
0x20: {  	vm14 =	vlt.s32 v13, v2;
	v10 =	vmpcnt.ones.xlane vm1;
	v11 =	vmpcnt.ones.xlane vm12  }
0x21: {  	vm15 =	vlt.s32 v14, v3;
	v12 =	vmpcnt.ones.xlane vm13;
	v13 =	vmpcnt.ones.xlane vm14  }
0x22: {  	v9 =	vadd.s32 v9, v11;
	v11 =	vmpcnt.ones.xlane vm15  }
0x23: {  	v10 =	vadd.s32 v10, v12;
	v9 =	vadd.s32 v13, v9  }
0x24: {  	v10 =	vadd.s32 v11, v10;
	[tilespmem:$0x16080] =	vst v9  }
0x25: {  	s18 =	simm.s32 $0x0;
	[tilespmem:$0x16090] =	vst v10  }
.LBB2_2:
0x26: {  	p0 =	seq.s32 s18, $0x7FC0  }
.Ltmp2:
0x27: {  	_ = 	snop;
	(pc) =	sbr.rel @!p0 .LBB2_2-.Ltmp2, $3  }
0x28: {  	_ =	sdelay $0x1  }
0x29: {  	s19 =	sshra.s32 s18, $0x2  }
0x2a: {  	s18 =	sadd.s32 $0x40, s18;
	[tilespmem:s19+$0x2080] =	vst v6  }
0x2b: {  	s18 =	simm.s32 $0x40;
	s19 =	simm.s32 $0x0  }
.LBB2_4:
0x2c: {  	p0 =	seq.s32 s18, $0x3FFC0;
	[tilespmem:s19+$0x6080] =	vst v7;
	s19 =	smov.u32 s18;
	s18 =	sadd.s32 $0x40, s18  }
.Ltmp3:
0x2d: {  	(pc) =	sbr.rel @!p0 .LBB2_4-.Ltmp3, $2  }
0x2e: {  	_ =	sdelay $0x2  }
0x2f: {  	s19 =	sshra.s32 s19, $0x2  }
0x30: {  	(v2sf) =	vpush v9, $0x0  }
0x31: {  	(v2sf) =	vpush v10, $0x0;
	_ =	sdelay $0xd  }
0x32: {  	s18 =	spop (v2sf)  }
0x33: {  	[tilespmem:s19+$0x6080] =	vst v7;
	s19 =	spop (v2sf)  }
0x34: {  	p0 =	slt.s32 s19, $0x29  }
0x35: {  	s19 =	simm.s32 @!p0 $0x29  }
0x36: {  	p0 =	sge.s32 s18, s19  }
.Ltmp4:
0x37: {  	_ = 	snop;
	(pc) =	sbr.rel @p0 .LBB2_10-.Ltmp4, $2  }
0x38: {  	_ =	sdelay $0x2  }
0x39: {  	v9 =	vimm.s32 $0x0  }
0x3a: {  	v9 =	vimm.s32 $0x0  }
.LBB2_7:
0x3b: {  	s20 =	sshll.u32 s18, $0x9  }
0x3c: {  	s20 =	sand.u32 $0x1FFFFE00, s20  }
0x3d: {  	s22 =	simm.s32 $0x0;
	s21 =	sadd.s32 s1, s20  }
0x3e: {  	[tilespmem:s22], [sflag:$0x2] =	stream.linear.gather [hbm4b:s21+s22], $0x1010, $0x38;
	[tilespmem:$0x16180] =	vst v63  }
0x3f: {  	_ =	swait.ge [sflag:s12], $0x1010  }
0x40: {  	[sflag:s12] =	ssyncset.done $0x0  }
0x41: {  	s20 =	sadd.s32 s2, s20;
	[sflag:s12] =	ssyncadd.s32 $0xFFFFEFF0  }
0x42: {  	[tilespmem:s13], [sflag:$0x2] =	stream.linear.gather [hbm4b:s20+s22], $0x1000, $0x38;
	[tilespmem:$0x16180] =	vst v63  }
0x43: {  	_ =	swait.ge [sflag:s12], $0x1000  }
0x44: {  	[sflag:s12] =	ssyncset.done $0x0  }
0x45: {  	s20 =	simm.s32 $0x0;
	[sflag:s12] =	ssyncadd.s32 $0xFFFFF000  }
0x46: {  	v11 =	vmov v9;
	s21 =	simm.s32 $0x40;
	v10 =	vld [tilespmem:s20+$0x0]  }
.LBB2_8:
0x47: {  	p0 =	sne.s32 s21, $0x3FC0;
	v12 =	vld [tilespmem:s20+$0x1];
	_ =	sdelay $0x3  }
0x48: {  	v13 =	vsub.s32 v10, v2  }
0x49: {  	vm0 =	vlt.u32 v13, $0x80000;
	vm1 =	vne.s32 v10, v12  }
0x4a: {  	vm0 =	vmand vm0, vm1  }
0x4b: {  	v12 =	vsel vm0, $0x1, v8;
	v13 =	vmpcnt.ones.xlane vm0  }
0x4c: {  	(xrf0) =	vadd.scan.msk.s32 $0xffff, v12  }
0x4d: {  	v9 =	vadd.s32 v9, v13;
	_ =	sdelay $0x4  }
0x4e: {  	v12, _, _ =	vpop (xrf0)  }
0x4f: {  	v12 =	vadd.s32 v12, v11;
	v11 =	vmov v9  }
0x50: {  	v12 =	vadd.s32 $0xFFFFFFFF, v12  }
0x51: {  	vm1 =	vgt.s32 v12, $0x0  }
0x52: {  	v12 =	vnsel vm1, $0x0, v12  }
0x53: {  	v12 =	vmin.u32 v12, $0x1FFF  }
0x54: {  	v13 =	vld [tilespmem:s20+$0x1080];
	_ =	sdelay $0x1  }
.Ltmp5:
0x55: {  	(pc) =	sbr.rel @p0 .LBB2_8-.Ltmp5, $4  }
0x56: {  	_ = 	snop  }
0x57: {  	[tilespmem:v12+s14+$0x0] =	vst.idx.msk vm0, v10  }
0x58: {  	s20 =	sshra.s32 s21, $0x2;
	[tilespmem:v12+s15+$0x0] =	vst.idx.msk vm0, v13  }
0x59: {  	s21 =	sadd.s32 $0x40, s21;
	v10 =	vld [tilespmem:s20+$0x0]  }
0x5a: {  	v12 =	vld [tilespmem:s20+$0x1];
	_ =	sdelay $0x3  }
0x5b: {  	v13 =	vsub.s32 v10, v2  }
0x5c: {  	vm0 =	vlt.u32 v13, $0x80000;
	vm1 =	vne.s32 v10, v12  }
0x5d: {  	vm0 =	vmand vm0, vm1  }
0x5e: {  	v61 =	vsel vm0, $0x1, v8  }
0x5f: {  	(xrf0) =	vadd.scan.msk.s32 $0xffff, v61;
	_ =	sdelay $0x5  }
0x60: {  	v12, _, _ =	vpop (xrf0)  }
0x61: {  	v11 =	vadd.s32 v12, v11  }
0x62: {  	v11 =	vadd.s32 $0xFFFFFFFF, v11  }
0x63: {  	vm15 =	vgt.s32 v11, $0x0  }
0x64: {  	v11 =	vnsel vm15, $0x0, v11  }
0x65: {  	s18 =	sadd.s32 $0x1, s18;
	v11 =	vmin.u32 v11, $0x1FFF  }
0x66: {  	v62 =	vld [tilespmem:s20+$0x1080];
	p0 =	sne.s32 s18, s19  }
.Ltmp6:
0x67: {  	_ = 	snop;
	(pc) =	sbr.rel @p0 .LBB2_7-.Ltmp6, $4  }
0x68: {  	_ = 	snop  }
0x69: {  	v63 =	vmpcnt.ones.xlane vm0  }
0x6a: {  	[tilespmem:v11+s14+$0x0] =	vst.idx.msk vm0, v10  }
0x6b: {  	v9 =	vadd.s32 v9, v63;
	[tilespmem:v11+s15+$0x0] =	vst.idx.msk vm0, v62  }
.LBB2_10:
0x6c: {  	(v2sf) =	vpush v9, $0x0;
	_ =	sdelay $0xe  }
0x6d: {  	s18 =	spop (v2sf)  }
.Ltmp7:
0x6e: {  	s20 =	sadd.s32 $0xF, s18;
	(pc) =	sbr.rel .LBB2_11-.Ltmp7, $4  }
0x6f: {  	s18 =	sshra.s32 s20, $0x1F  }
0x70: {  	s18 =	sshrl.u32 s18, $0x1C  }
0x71: {  	s18 =	sadd.s32 s18, s20  }
0x72: {  	[tilespmem:$0x16080] =	vst v9;
	s19 =	simm.s32 $0x0;
	p0 =	slt.s32 s20, $0x10;
	s18 =	sshra.s32 s18, $0x4  }
.LBB2_20:
0x73: {  	s20 =	sshrl.u32 s22, $0x3  }
0x74: {  	s20 =	sadd.s32 s5, s20  }
0x75: {  	[hbm4b:s20+s3] =	stream.linear.scatter [tilespmem:s16], [sflag:$0x2], $0x10000, $0x38;
	[tilespmem:$0x16180] =	vst v63  }
0x76: {  	_ =	swait.ge [sflag:s12], $0x10000  }
0x77: {  	[sflag:s12] =	ssyncset.done $0x0  }
0x78: {  	[sflag:s12] =	ssyncadd.s32 $0xFFFF0000  }
.LBB2_21:
0x79: {  	s19 =	sadd.s32 $0x1, s19  }
0x7a: {  	p1 =	sne.s32 s19, $0x8  }
.Ltmp8:
0x7b: {  	_ = 	snop;
	(pc) =	sbr.rel @!p1 .LBB2_22-.Ltmp8, $1  }
0x7c: {  	_ =	sdelay $0x3  }
.LBB2_11:
.Ltmp9:
0x7d: {  	(pc) =	sbr.rel @p0 .LBB2_20-.Ltmp9, $3  }
0x7e: {  	_ =	sdelay $0x1  }
0x7f: {  	s20 =	sshll.u32 s19, $0x10  }
0x80: {  	s22 =	sadd.s32 s6, s20  }
0x81: {  	p2 =	sne.s32 s18, $0x1  }
.Ltmp10:
0x82: {  	_ = 	snop;
	(pc) =	sbr.rel @!p2 .LBB2_13-.Ltmp10, $3  }
0x83: {  	_ =	sdelay $0x1  }
0x84: {  	s20 =	simm.s32 $0x2080  }
0x85: {  	v9 =	vmov s22;
	s23 =	simm.s32 $0x4080;
	s21 =	sadd.s32 $0xFFFFFFFF, s18;
	p1 =	por $0x0, $0x0;
	v10 =	vld [tilespmem:s20+$0x0]  }
0x86: {  	_ =	sdelay $0x3  }
0x87: {  	v10 =	vsub.s32 v10, v9  }
0x88: {  	vm0 =	vgt.s32 v10, $0x0  }
0x89: {  	vm1 =	vlt.u32 v10, $0x10000;
	v10 =	vnsel vm0, $0x0, v10  }
0x8a: {  	v11 =	vld [tilespmem:s23+$0x0];
	v10 =	vmin.u32 v10, $0xFFFF  }
0x8b: {  	p2 =	sne.s32 s21, $0x1  }
.Ltmp11:
0x8c: {  	_ = 	snop;
	(pc) =	sbr.rel @!p2 .LBB2_15-.Ltmp11, $3  }
0x8d: {  	_ =	sdelay $0x1  }
0x8e: {  	s25 =	simm.s32 $0x2090;
	[tilespmem:v10+s16+$0x0] =	vst.idx.msk vm1, v11  }
0x8f: {  	s26 =	sadd.s32 $0xFFFFFFFF, s21;
	p1 =	por $0x1, $0x1;
	s24 =	simm.s32 $0x4080;
	v10 =	vld [tilespmem:s25+$0x0]  }
.LBB2_16:
0x90: {  	p2 =	sne.s32 s26, $0x1;
	_ =	sdelay $0x3  }
0x91: {  	v10 =	vsub.s32 v10, v9  }
0x92: {  	vm0 =	vgt.s32 v10, $0x0  }
0x93: {  	s24 =	sadd.s32 $0x10, s24;
	vm1 =	vlt.u32 v10, $0x10000;
	v10 =	vnsel vm0, $0x0, v10  }
0x94: {  	v11 =	vld [tilespmem:s24+$0x0];
	v10 =	vmin.u32 v10, $0xFFFF;
	_ =	sdelay $0x1  }
.Ltmp12:
0x95: {  	(pc) =	sbr.rel @p2 .LBB2_16-.Ltmp12, $3  }
0x96: {  	_ =	sdelay $0x1  }
0x97: {  	s25 =	sadd.s32 $0x10, s25;
	[tilespmem:v10+s16+$0x0] =	vst.idx.msk vm1, v11  }
0x98: {  	s26 =	sadd.s32 $0xFFFFFFFF, s26;
	v10 =	vld [tilespmem:s25+$0x0]  }
.LBB2_17:
0x99: {  	_ =	sdelay $0x3  }
0x9a: {  	v10 =	vsub.s32 v10, v9  }
0x9b: {  	s24 =	sadd.s32 @p1 $0x10, s24;
	vm0 =	vgt.s32 v10, $0x0  }
0x9c: {  	s23 =	smov.u32 @p1 s24;
	vm1 =	vlt.u32 v10, $0x10000;
	v10 =	vnsel vm0, $0x0, v10  }
0x9d: {  	v11 =	vld [tilespmem:s23+$0x0];
	v10 =	vmin.u32 v10, $0xFFFF;
	_ =	sdelay $0x3  }
0x9e: {  	s22 =	sshrl.u32 s22, $0x3  }
0x9f: {  	s22 =	sadd.s32 s5, s22;
	p1 =	seq.s32 s18, $0x1;
	[tilespmem:v10+s16+$0x0] =	vst.idx.msk vm1, v11  }
0xa0: {  	[hbm4b:s22+s3] =	stream.linear.scatter [tilespmem:s16], [sflag:$0x2], $0x10000, $0x38;
	[tilespmem:$0x16180] =	vst v63  }
.Ltmp13:
0xa1: {  	_ = 	snop;
	(pc) =	sbr.rel @p1 .LBB2_19-.Ltmp13, $4  }
0xa2: {  	_ =	swait.ge [sflag:s12], $0x10000  }
0xa3: {  	[sflag:s12] =	ssyncset.done $0x0  }
0xa4: {  	[sflag:s12] =	ssyncadd.s32 $0xFFFF0000  }
0xa5: {  	v10 =	vld [tilespmem:s20+$0x0]  }
.LBB2_18:
0xa6: {  	p1 =	seq.s32 s21, $0x1;
	_ =	sdelay $0x3  }
0xa7: {  	v10 =	vsub.s32 v10, v9  }
0xa8: {  	vm0 =	vgt.s32 v10, $0x0  }
0xa9: {  	vm1 =	vlt.u32 v10, $0x10000;
	v10 =	vnsel vm0, $0x0, v10  }
0xaa: {  	v10 =	vmin.u32 v10, $0xFFFF;
	_ =	sdelay $0x1  }
.Ltmp14:
0xab: {  	(pc) =	sbr.rel @!p1 .LBB2_18-.Ltmp14, $3  }
0xac: {  	_ =	sdelay $0x1  }
0xad: {  	s20 =	sadd.s32 $0x10, s20;
	[tilespmem:v10+s16+$0x0] =	vst.idx.msk vm1, v7  }
0xae: {  	s21 =	sadd.s32 $0xFFFFFFFF, s21;
	v10 =	vld [tilespmem:s20+$0x0]  }
.LBB2_19:
0xaf: {  	_ =	sdelay $0x3  }
0xb0: {  	v9 =	vsub.s32 v10, v9  }
0xb1: {  	vm0 =	vgt.s32 v9, $0x0  }
0xb2: {  	vm1 =	vlt.u32 v9, $0x10000;
	v9 =	vnsel vm0, $0x0, v9  }
0xb3: {  	v9 =	vmin.u32 v9, $0xFFFF  }
.Ltmp15:
0xb4: {  	_ = 	snop;
	(pc) =	sbr.rel .LBB2_21-.Ltmp15, $2  }
0xb5: {  	_ =	sdelay $0x2  }
0xb6: {  	[tilespmem:v9+s16+$0x0] =	vst.idx.msk vm1, v7  }
.LBB2_13:
.Ltmp16:
0xb7: {  	(pc) =	sbr.rel .LBB2_17-.Ltmp16, $2  }
0xb8: {  	_ =	sdelay $0x2  }
0xb9: {  	s24 =	simm.s32 $0x4080  }
.LBB2_15:
.Ltmp17:
0xba: {  	(pc) =	sbr.rel .LBB2_17-.Ltmp17, $2  }
0xbb: {  	_ =	sdelay $0x2  }
0xbc: {  	s24 =	simm.s32 $0x4080  }
.LBB2_23:
0xbd: {  	_ =	sfence.sel $0x180000  }
0xbe: {  	[bflag:$0x0] =	sbarrier.arrive $0xFFFF  }
0xbf: {  	p0 =	sne.s32 s4, $0x0;
	_ =	strace $0x90000047  }
0xc0: {  	s0 =	sadd.s32 @!p0 $0x100000, s0;
	[bflag:$0x2] =	sbarrier.arrive $0xFFFF  }
0xc1: {  	[sflag:s0] =	ssyncadd.tile.s32 @!p0 $0x1;
	_ =	shalt  }
.Lfunc_end2:
_tile_overlayer_lowered:
.L_overlay_start_2:
0xc2: {  	(tag) =	ssettag $0x2  }
0xc3: {  	s0 =	rddreg [dreg:$0x0];
	s2 =	stileid.u32  }
0xc4: {  	s1 =	rddreg [dreg:$0x1];
	p0 =	sne.s32 s2, $0x0  }
0xc5: {  	s3 =	rddreg [dreg:$0x2];
	[bflag:$0x3] =	sbarrier.arrive $0xFFFF;
	s2 =	simm.s32 @!p0 $0x1C02  }
0xc6: {  	[timem:s3], [sflag:s2] =	dma.local @!p0 [hbm:s0], s1  }
0xc7: {  	s0 =	simm.s32 @!p0 $0x2  }
0xc8: {  	_ =	swait.ge @!p0 [sflag:s0], s1  }
0xc9: {  	s1 =	ssub.s32 @!p0 $0x0, s1;
	[sflag:s0] =	ssyncset.done @!p0 $0x0  }
0xca: {  	[sflag:s0] =	ssyncadd.s32 @!p0 s1  }
0xcb: {  	[bflag:$0x3] =	sbarrier.arrive $0xFFFF  }
0xcc: {  	_ =	shalt  }

</sc_bundles>
